<compile_context>
chip_gen: v7x
topology: tpu7x:2x2x1
jax: 0.10.2.dev20260603
libtpu: 0.0.44.dev20260713+nightly
codegen_flags: <defaults>
</compile_context>

<pallas_src>
import functools

import jax
import jax.numpy as jnp
from jax import lax
from jax.experimental import pallas as pl
from jax.experimental.pallas import tpu as pltpu
from jax.experimental.pallas import tpu_sc as plsc

_D = 128
_CHUNK = 128


def _make_gather(total_rows: int):
    info = plsc.get_sparse_core_info()
    nc, ns = info.num_cores, info.num_subcores
    nw = nc * ns
    rows_per_w = total_rows // nw
    n_chunks = rows_per_w // _CHUNK

    mesh = plsc.VectorSubcoreMesh(core_axis_name="c", subcore_axis_name="s")

    @functools.partial(
        pl.kernel,
        out_type=jax.ShapeDtypeStruct((total_rows, _D), jnp.float32),
        mesh=mesh,
        scratch_types=[
            pltpu.VMEM((n_chunks, _CHUNK), jnp.int32),
            pltpu.VMEM((_CHUNK, _D), jnp.float32),
            pltpu.VMEM((_CHUNK, _D), jnp.float32),
            pltpu.VMEM_SHARED((2, _D), jnp.float32),
            pltpu.SemaphoreType.DMA,
            pltpu.SemaphoreType.DMA,
            pltpu.SemaphoreType.DMA,
            pltpu.SemaphoreType.DMA,
        ],
    )
    def gather_kernel(ids_hbm, table_hbm, out_hbm, idx_v, rows0, rows1,
                      table_sh, sg0, sg1, ss0, ss1):
        sid = lax.axis_index("s")
        wid = sid * nc + lax.axis_index("c")
        base = wid * rows_per_w
        @pl.when(sid == 0)
        def _():
            pltpu.sync_copy(table_hbm, table_sh)

        pltpu.sync_copy(ids_hbm.at[wid], idx_v)
        plsc.subcore_barrier()

        bufs = (rows0, rows1)
        gsems = (sg0, sg1)
        ssems = (ss0, ss1)
        gathers = [None, None]
        stores = [None, None]
        gathers[0] = pltpu.async_copy(table_sh.at[idx_v.at[0]], bufs[0], gsems[0])
        for c in range(n_chunks):
            p = c & 1
            q = p ^ 1
            if c + 1 < n_chunks:
                if stores[q] is not None:
                    stores[q].wait()
                gathers[q] = pltpu.async_copy(
                    table_sh.at[idx_v.at[c + 1]], bufs[q], gsems[q])
            gathers[p].wait()
            stores[p] = pltpu.async_copy(
                bufs[p], out_hbm.at[pl.ds(base + c * _CHUNK, _CHUNK)], ssems[p])
        stores[0].wait()
        stores[1].wait()

    return gather_kernel, nw, n_chunks


def kernel(input_ids, embedding_table):
    b, s = input_ids.shape
    total = b * s
    gather_kernel, nw, n_chunks = _make_gather(total)
    ids3 = input_ids.reshape(nw, n_chunks, _CHUNK)
    out = gather_kernel(ids3, embedding_table)
    return out.reshape(b, s, _D), embedding_table

# --- scband reference (transcript-rebuilt; emitter-appended) ---
"""Pipeline reference for scband-token-type-embedding-layer-22368189678184 (READ-ONLY COPY).

The authoritative reference and input builder live on the scoring server;
editing this copy changes nothing except your own understanding.
"""

import jax, jax.numpy as jnp
import numpy as np

TOKEN_TYPE_SIZE = 2
EMBEDDING_SIZE = 128
INITIALIZER_RANGE = 0.02
BATCH = 4
SEQ_LEN = 8192


def setup_inputs(seed: int = 0) -> dict:
    key = jax.random.key(seed)
    k1, k2 = jax.random.split(key)
    input_ids = jax.random.randint(k1, (BATCH, SEQ_LEN), 0, TOKEN_TYPE_SIZE, dtype=jnp.int32)
    # truncated-normal-ish init for the embedding table
    embedding_table = (jax.random.truncated_normal(k2, -2.0, 2.0, (TOKEN_TYPE_SIZE, EMBEDDING_SIZE), dtype=jnp.float32) * INITIALIZER_RANGE)
    return {"input_ids": input_ids, "embedding_table": embedding_table}


def reference(input_ids, embedding_table):
    # Mirrors TokenTypeEmbeddingLayer.call with use_one_hot_embeddings=False.
    # input_ids: int32 [B, S] -> expand to [B, S, 1]
    ids = input_ids
    if ids.ndim == 2:
        ids = ids[..., None]
    flat_input_ids = ids.reshape(-1)
    output = jnp.take(embedding_table, flat_input_ids, axis=0)
    in_shape = ids.shape
    out_shape = tuple(in_shape[:-1]) + (in_shape[-1] * embedding_table.shape[1],)
    output = output.reshape(out_shape)
    return (output, embedding_table)

if __name__ == "__main__":
    import jax
    _d = setup_inputs()
    print(jax.jit(kernel)(*tuple(_d.values())))

</pallas_src>

<mosaic_0001>
#map = affine_map<(d0, d1) -> (0, 0, 0)>
#map1 = affine_map<(d0, d1) -> (0, 0)>
module attributes {stable_mosaic.version = 14 : i64} {
  func.func @gather_kernel(%arg0: i32, %arg1: i32, %arg2: memref<32x8x128xi32, #tpu.memory_space<hbm>>, %arg3: memref<2x128xf32, #tpu.memory_space<hbm>>, %arg4: memref<32768x128xf32, #tpu.memory_space<hbm>>, %arg5: memref<8x128xi32, #tpu.memory_space<vmem>>, %arg6: memref<128x128xf32, #tpu.memory_space<vmem>>, %arg7: memref<128x128xf32, #tpu.memory_space<vmem>>, %arg8: memref<2x128xf32, #tpu.memory_space<vmem_shared>>, %arg9: memref<!tpu.dma_semaphore, #tpu.memory_space<semaphore_mem>>, %arg10: memref<!tpu.dma_semaphore, #tpu.memory_space<semaphore_mem>>, %arg11: memref<!tpu.dma_semaphore, #tpu.memory_space<semaphore_mem>>, %arg12: memref<!tpu.dma_semaphore, #tpu.memory_space<semaphore_mem>>) attributes {dimension_semantics = [#tpu.dimension_semantics<core_parallel>, #tpu.dimension_semantics<subcore_parallel>], iteration_bounds = array<i64: 2, 16>, scalar_prefetch = 0 : i64, scratch_operands = 8 : i64, tpu.core_type = #tpu.core_type<sc_vector_subcore>, window_params = [{transform_indices = #map}, {transform_indices = #map1}, {transform_indices = #map1}]} {
    %mul3A = arith.constant 2 : i32
    %mul3A_0 = arith.muli %arg1, %mul3A : i32
    %add3A = arith.addi %mul3A_0, %arg0 : i32
    %mul3A_1 = arith.constant 1024 : i32
    %mul3A_2 = arith.muli %add3A, %mul3A_1 : i32
    %eq3A = arith.constant 0 : i32
    %eq3A_3 = arith.cmpi eq, %arg1, %eq3A : i32
    %convert_element_type3A = arith.extui %eq3A_3 : i1 to i32
    %cond3A = arith.constant 0 : i32
    %cond3A_4 = arith.cmpi ne, %convert_element_type3A, %cond3A : i32
    scf.if %cond3A_4 {
      "tpu.region"() ({
        %run_scoped3A = tpu.sem_alloc : memref<!tpu.dma_semaphore, #tpu.memory_space<semaphore_mem>>
        tpu.enqueue_dma source(%arg3 : memref<2x128xf32, #tpu.memory_space<hbm>>) target(%arg8 : memref<2x128xf32, #tpu.memory_space<vmem_shared>>) target_semaphore(%run_scoped3A : memref<!tpu.dma_semaphore, #tpu.memory_space<semaphore_mem>>)
        tpu.wait_dma2 semaphore(%run_scoped3A : memref<!tpu.dma_semaphore, #tpu.memory_space<semaphore_mem>>) src(%arg3 : memref<2x128xf32, #tpu.memory_space<hbm>>) dst(%arg8 : memref<2x128xf32, #tpu.memory_space<vmem_shared>>)
        tpu.yield
      }) : () -> ()
    } else {
    }
    "tpu.region"() ({
      %run_scoped3A = tpu.sem_alloc : memref<!tpu.dma_semaphore, #tpu.memory_space<semaphore_mem>>
      %dma_start3A_195 = arith.constant 0 : i32
      %dma_start3A_196 = arith.constant 0 : i32
      %dma_start3A_197 = tpu.memref_slice %arg2[%add3A, %dma_start3A_195, %dma_start3A_196] : memref<32x8x128xi32, #tpu.memory_space<hbm>> -> memref<1x8x128xi32, #tpu.memory_space<hbm>>
      %dma_start3A_198 = tpu.memref_squeeze %dma_start3A_197 : memref<1x8x128xi32, #tpu.memory_space<hbm>> -> memref<8x128xi32, #tpu.memory_space<hbm>>
      %dma_start3A_199 = arith.constant 0 : i32
      %dma_start3A_200 = arith.constant 0 : i32
      %dma_start3A_201 = tpu.memref_slice %arg2[%add3A, %dma_start3A_199, %dma_start3A_200] : memref<32x8x128xi32, #tpu.memory_space<hbm>> -> memref<1x8x128xi32, #tpu.memory_space<hbm>>
      %dma_start3A_202 = tpu.memref_squeeze %dma_start3A_201 : memref<1x8x128xi32, #tpu.memory_space<hbm>> -> memref<8x128xi32, #tpu.memory_space<hbm>>
      tpu.enqueue_dma source(%dma_start3A_202 : memref<8x128xi32, #tpu.memory_space<hbm>>) target(%arg5 : memref<8x128xi32, #tpu.memory_space<vmem>>) target_semaphore(%run_scoped3A : memref<!tpu.dma_semaphore, #tpu.memory_space<semaphore_mem>>)
      %dma_wait3A_203 = arith.constant 0 : i32
      %dma_wait3A_204 = arith.constant 0 : i32
      %dma_wait3A_205 = tpu.memref_slice %arg2[%add3A, %dma_wait3A_203, %dma_wait3A_204] : memref<32x8x128xi32, #tpu.memory_space<hbm>> -> memref<1x8x128xi32, #tpu.memory_space<hbm>>
      %dma_wait3A_206 = tpu.memref_squeeze %dma_wait3A_205 : memref<1x8x128xi32, #tpu.memory_space<hbm>> -> memref<8x128xi32, #tpu.memory_space<hbm>>
      %dma_wait3A_207 = arith.constant 0 : i32
      %dma_wait3A_208 = arith.constant 0 : i32
      %dma_wait3A_209 = tpu.memref_slice %arg2[%add3A, %dma_wait3A_207, %dma_wait3A_208] : memref<32x8x128xi32, #tpu.memory_space<hbm>> -> memref<1x8x128xi32, #tpu.memory_space<hbm>>
      %dma_wait3A_210 = tpu.memref_squeeze %dma_wait3A_209 : memref<1x8x128xi32, #tpu.memory_space<hbm>> -> memref<8x128xi32, #tpu.memory_space<hbm>>
      tpu.wait_dma2 semaphore(%run_scoped3A : memref<!tpu.dma_semaphore, #tpu.memory_space<semaphore_mem>>) src(%dma_wait3A_210 : memref<8x128xi32, #tpu.memory_space<hbm>>) dst(%arg5 : memref<8x128xi32, #tpu.memory_space<vmem>>)
      tpu.yield
    }) : () -> ()
    %barrier3A = arith.constant 0 : index
    tpu.barrier barrier_id(%barrier3A)
    %dma_start3A = arith.constant 0 : i32
    %dma_start3A_5 = arith.constant 0 : i32
    %dma_start3A_6 = tpu.memref_slice %arg5[%dma_start3A, %dma_start3A_5] : memref<8x128xi32, #tpu.memory_space<vmem>> -> memref<1x128xi32, #tpu.memory_space<vmem>>
    %dma_start3A_7 = tpu.memref_squeeze %dma_start3A_6 : memref<1x128xi32, #tpu.memory_space<vmem>> -> memref<128xi32, #tpu.memory_space<vmem>>
    %dma_start3A_8 = arith.constant 0 : i32
    %dma_start3A_9 = arith.constant 0 : i32
    %dma_start3A_10 = tpu.memref_slice %arg8[%dma_start3A_8, %dma_start3A_9] : memref<2x128xf32, #tpu.memory_space<vmem_shared>> -> memref<2x128xf32, #tpu.memory_space<vmem_shared>>
    tpu.enqueue_indirect_dma source(%dma_start3A_10 : memref<2x128xf32, #tpu.memory_space<vmem_shared>>) target(%arg6 : memref<128x128xf32, #tpu.memory_space<vmem>>) offsets(%dma_start3A_7 : memref<128xi32, #tpu.memory_space<vmem>>) semaphore(%arg9 : memref<!tpu.dma_semaphore, #tpu.memory_space<semaphore_mem>>)
    %dma_start3A_11 = arith.constant 1 : i32
    %dma_start3A_12 = arith.constant 0 : i32
    %dma_start3A_13 = tpu.memref_slice %arg5[%dma_start3A_11, %dma_start3A_12] : memref<8x128xi32, #tpu.memory_space<vmem>> -> memref<1x128xi32, #tpu.memory_space<vmem>>
    %dma_start3A_14 = tpu.memref_squeeze %dma_start3A_13 : memref<1x128xi32, #tpu.memory_space<vmem>> -> memref<128xi32, #tpu.memory_space<vmem>>
    %dma_start3A_15 = arith.constant 0 : i32
    %dma_start3A_16 = arith.constant 0 : i32
    %dma_start3A_17 = tpu.memref_slice %arg8[%dma_start3A_15, %dma_start3A_16] : memref<2x128xf32, #tpu.memory_space<vmem_shared>> -> memref<2x128xf32, #tpu.memory_space<vmem_shared>>
    tpu.enqueue_indirect_dma source(%dma_start3A_17 : memref<2x128xf32, #tpu.memory_space<vmem_shared>>) target(%arg7 : memref<128x128xf32, #tpu.memory_space<vmem>>) offsets(%dma_start3A_14 : memref<128xi32, #tpu.memory_space<vmem>>) semaphore(%arg10 : memref<!tpu.dma_semaphore, #tpu.memory_space<semaphore_mem>>)
    %dma_wait3A = arith.constant 0 : i32
    %dma_wait3A_18 = arith.constant 0 : i32
    %dma_wait3A_19 = tpu.memref_slice %arg5[%dma_wait3A, %dma_wait3A_18] : memref<8x128xi32, #tpu.memory_space<vmem>> -> memref<1x128xi32, #tpu.memory_space<vmem>>
    %dma_wait3A_20 = tpu.memref_squeeze %dma_wait3A_19 : memref<1x128xi32, #tpu.memory_space<vmem>> -> memref<128xi32, #tpu.memory_space<vmem>>
    %dma_wait3A_21 = arith.constant 0 : i32
    %dma_wait3A_22 = arith.constant 0 : i32
    %dma_wait3A_23 = tpu.memref_slice %arg8[%dma_wait3A_21, %dma_wait3A_22] : memref<2x128xf32, #tpu.memory_space<vmem_shared>> -> memref<2x128xf32, #tpu.memory_space<vmem_shared>>
    tpu.wait_indirect_dma semaphore(%arg9 : memref<!tpu.dma_semaphore, #tpu.memory_space<semaphore_mem>>) src(%dma_wait3A_23 : memref<2x128xf32, #tpu.memory_space<vmem_shared>>) dst(%arg6 : memref<128x128xf32, #tpu.memory_space<vmem>>)
    %add3A_24 = arith.constant 0 : i32
    %add3A_25 = arith.addi %mul3A_2, %add3A_24 : i32
    %dma_start3A_26 = arith.constant 0 : i32
    %dma_start3A_27 = tpu.memref_slice %arg4[%add3A_25, %dma_start3A_26] : memref<32768x128xf32, #tpu.memory_space<hbm>> -> memref<128x128xf32, #tpu.memory_space<hbm>>
    %dma_start3A_28 = arith.constant 0 : i32
    %dma_start3A_29 = tpu.memref_slice %arg4[%add3A_25, %dma_start3A_28] : memref<32768x128xf32, #tpu.memory_space<hbm>> -> memref<128x128xf32, #tpu.memory_space<hbm>>
    tpu.enqueue_dma source(%arg6 : memref<128x128xf32, #tpu.memory_space<vmem>>) target(%dma_start3A_29 : memref<128x128xf32, #tpu.memory_space<hbm>>) target_semaphore(%arg11 : memref<!tpu.dma_semaphore, #tpu.memory_space<semaphore_mem>>)
    %dma_wait3A_30 = arith.constant 0 : i32
    %dma_wait3A_31 = tpu.memref_slice %arg4[%add3A_25, %dma_wait3A_30] : memref<32768x128xf32, #tpu.memory_space<hbm>> -> memref<128x128xf32, #tpu.memory_space<hbm>>
    %dma_wait3A_32 = arith.constant 0 : i32
    %dma_wait3A_33 = tpu.memref_slice %arg4[%add3A_25, %dma_wait3A_32] : memref<32768x128xf32, #tpu.memory_space<hbm>> -> memref<128x128xf32, #tpu.memory_space<hbm>>
    tpu.wait_dma2 semaphore(%arg11 : memref<!tpu.dma_semaphore, #tpu.memory_space<semaphore_mem>>) src(%arg6 : memref<128x128xf32, #tpu.memory_space<vmem>>) dst(%dma_wait3A_33 : memref<128x128xf32, #tpu.memory_space<hbm>>)
    %dma_start3A_34 = arith.constant 2 : i32
    %dma_start3A_35 = arith.constant 0 : i32
    %dma_start3A_36 = tpu.memref_slice %arg5[%dma_start3A_34, %dma_start3A_35] : memref<8x128xi32, #tpu.memory_space<vmem>> -> memref<1x128xi32, #tpu.memory_space<vmem>>
    %dma_start3A_37 = tpu.memref_squeeze %dma_start3A_36 : memref<1x128xi32, #tpu.memory_space<vmem>> -> memref<128xi32, #tpu.memory_space<vmem>>
    %dma_start3A_38 = arith.constant 0 : i32
    %dma_start3A_39 = arith.constant 0 : i32
    %dma_start3A_40 = tpu.memref_slice %arg8[%dma_start3A_38, %dma_start3A_39] : memref<2x128xf32, #tpu.memory_space<vmem_shared>> -> memref<2x128xf32, #tpu.memory_space<vmem_shared>>
    tpu.enqueue_indirect_dma source(%dma_start3A_40 : memref<2x128xf32, #tpu.memory_space<vmem_shared>>) target(%arg6 : memref<128x128xf32, #tpu.memory_space<vmem>>) offsets(%dma_start3A_37 : memref<128xi32, #tpu.memory_space<vmem>>) semaphore(%arg9 : memref<!tpu.dma_semaphore, #tpu.memory_space<semaphore_mem>>)
    %dma_wait3A_41 = arith.constant 1 : i32
    %dma_wait3A_42 = arith.constant 0 : i32
    %dma_wait3A_43 = tpu.memref_slice %arg5[%dma_wait3A_41, %dma_wait3A_42] : memref<8x128xi32, #tpu.memory_space<vmem>> -> memref<1x128xi32, #tpu.memory_space<vmem>>
    %dma_wait3A_44 = tpu.memref_squeeze %dma_wait3A_43 : memref<1x128xi32, #tpu.memory_space<vmem>> -> memref<128xi32, #tpu.memory_space<vmem>>
    %dma_wait3A_45 = arith.constant 0 : i32
    %dma_wait3A_46 = arith.constant 0 : i32
    %dma_wait3A_47 = tpu.memref_slice %arg8[%dma_wait3A_45, %dma_wait3A_46] : memref<2x128xf32, #tpu.memory_space<vmem_shared>> -> memref<2x128xf32, #tpu.memory_space<vmem_shared>>
    tpu.wait_indirect_dma semaphore(%arg10 : memref<!tpu.dma_semaphore, #tpu.memory_space<semaphore_mem>>) src(%dma_wait3A_47 : memref<2x128xf32, #tpu.memory_space<vmem_shared>>) dst(%arg7 : memref<128x128xf32, #tpu.memory_space<vmem>>)
    %add3A_48 = arith.constant 128 : i32
    %add3A_49 = arith.addi %mul3A_2, %add3A_48 : i32
    %dma_start3A_50 = arith.constant 0 : i32
    %dma_start3A_51 = tpu.memref_slice %arg4[%add3A_49, %dma_start3A_50] : memref<32768x128xf32, #tpu.memory_space<hbm>> -> memref<128x128xf32, #tpu.memory_space<hbm>>
    %dma_start3A_52 = arith.constant 0 : i32
    %dma_start3A_53 = tpu.memref_slice %arg4[%add3A_49, %dma_start3A_52] : memref<32768x128xf32, #tpu.memory_space<hbm>> -> memref<128x128xf32, #tpu.memory_space<hbm>>
    tpu.enqueue_dma source(%arg7 : memref<128x128xf32, #tpu.memory_space<vmem>>) target(%dma_start3A_53 : memref<128x128xf32, #tpu.memory_space<hbm>>) target_semaphore(%arg12 : memref<!tpu.dma_semaphore, #tpu.memory_space<semaphore_mem>>)
    %dma_wait3A_54 = arith.constant 0 : i32
    %dma_wait3A_55 = tpu.memref_slice %arg4[%add3A_49, %dma_wait3A_54] : memref<32768x128xf32, #tpu.memory_space<hbm>> -> memref<128x128xf32, #tpu.memory_space<hbm>>
    %dma_wait3A_56 = arith.constant 0 : i32
    %dma_wait3A_57 = tpu.memref_slice %arg4[%add3A_49, %dma_wait3A_56] : memref<32768x128xf32, #tpu.memory_space<hbm>> -> memref<128x128xf32, #tpu.memory_space<hbm>>
    tpu.wait_dma2 semaphore(%arg12 : memref<!tpu.dma_semaphore, #tpu.memory_space<semaphore_mem>>) src(%arg7 : memref<128x128xf32, #tpu.memory_space<vmem>>) dst(%dma_wait3A_57 : memref<128x128xf32, #tpu.memory_space<hbm>>)
    %dma_start3A_58 = arith.constant 3 : i32
    %dma_start3A_59 = arith.constant 0 : i32
    %dma_start3A_60 = tpu.memref_slice %arg5[%dma_start3A_58, %dma_start3A_59] : memref<8x128xi32, #tpu.memory_space<vmem>> -> memref<1x128xi32, #tpu.memory_space<vmem>>
    %dma_start3A_61 = tpu.memref_squeeze %dma_start3A_60 : memref<1x128xi32, #tpu.memory_space<vmem>> -> memref<128xi32, #tpu.memory_space<vmem>>
    %dma_start3A_62 = arith.constant 0 : i32
    %dma_start3A_63 = arith.constant 0 : i32
    %dma_start3A_64 = tpu.memref_slice %arg8[%dma_start3A_62, %dma_start3A_63] : memref<2x128xf32, #tpu.memory_space<vmem_shared>> -> memref<2x128xf32, #tpu.memory_space<vmem_shared>>
    tpu.enqueue_indirect_dma source(%dma_start3A_64 : memref<2x128xf32, #tpu.memory_space<vmem_shared>>) target(%arg7 : memref<128x128xf32, #tpu.memory_space<vmem>>) offsets(%dma_start3A_61 : memref<128xi32, #tpu.memory_space<vmem>>) semaphore(%arg10 : memref<!tpu.dma_semaphore, #tpu.memory_space<semaphore_mem>>)
    %dma_wait3A_65 = arith.constant 2 : i32
    %dma_wait3A_66 = arith.constant 0 : i32
    %dma_wait3A_67 = tpu.memref_slice %arg5[%dma_wait3A_65, %dma_wait3A_66] : memref<8x128xi32, #tpu.memory_space<vmem>> -> memref<1x128xi32, #tpu.memory_space<vmem>>
    %dma_wait3A_68 = tpu.memref_squeeze %dma_wait3A_67 : memref<1x128xi32, #tpu.memory_space<vmem>> -> memref<128xi32, #tpu.memory_space<vmem>>
    %dma_wait3A_69 = arith.constant 0 : i32
    %dma_wait3A_70 = arith.constant 0 : i32
    %dma_wait3A_71 = tpu.memref_slice %arg8[%dma_wait3A_69, %dma_wait3A_70] : memref<2x128xf32, #tpu.memory_space<vmem_shared>> -> memref<2x128xf32, #tpu.memory_space<vmem_shared>>
    tpu.wait_indirect_dma semaphore(%arg9 : memref<!tpu.dma_semaphore, #tpu.memory_space<semaphore_mem>>) src(%dma_wait3A_71 : memref<2x128xf32, #tpu.memory_space<vmem_shared>>) dst(%arg6 : memref<128x128xf32, #tpu.memory_space<vmem>>)
    %add3A_72 = arith.constant 256 : i32
    %add3A_73 = arith.addi %mul3A_2, %add3A_72 : i32
    %dma_start3A_74 = arith.constant 0 : i32
    %dma_start3A_75 = tpu.memref_slice %arg4[%add3A_73, %dma_start3A_74] : memref<32768x128xf32, #tpu.memory_space<hbm>> -> memref<128x128xf32, #tpu.memory_space<hbm>>
    %dma_start3A_76 = arith.constant 0 : i32
    %dma_start3A_77 = tpu.memref_slice %arg4[%add3A_73, %dma_start3A_76] : memref<32768x128xf32, #tpu.memory_space<hbm>> -> memref<128x128xf32, #tpu.memory_space<hbm>>
    tpu.enqueue_dma source(%arg6 : memref<128x128xf32, #tpu.memory_space<vmem>>) target(%dma_start3A_77 : memref<128x128xf32, #tpu.memory_space<hbm>>) target_semaphore(%arg11 : memref<!tpu.dma_semaphore, #tpu.memory_space<semaphore_mem>>)
    %dma_wait3A_78 = arith.constant 0 : i32
    %dma_wait3A_79 = tpu.memref_slice %arg4[%add3A_73, %dma_wait3A_78] : memref<32768x128xf32, #tpu.memory_space<hbm>> -> memref<128x128xf32, #tpu.memory_space<hbm>>
    %dma_wait3A_80 = arith.constant 0 : i32
    %dma_wait3A_81 = tpu.memref_slice %arg4[%add3A_73, %dma_wait3A_80] : memref<32768x128xf32, #tpu.memory_space<hbm>> -> memref<128x128xf32, #tpu.memory_space<hbm>>
    tpu.wait_dma2 semaphore(%arg11 : memref<!tpu.dma_semaphore, #tpu.memory_space<semaphore_mem>>) src(%arg6 : memref<128x128xf32, #tpu.memory_space<vmem>>) dst(%dma_wait3A_81 : memref<128x128xf32, #tpu.memory_space<hbm>>)
    %dma_start3A_82 = arith.constant 4 : i32
    %dma_start3A_83 = arith.constant 0 : i32
    %dma_start3A_84 = tpu.memref_slice %arg5[%dma_start3A_82, %dma_start3A_83] : memref<8x128xi32, #tpu.memory_space<vmem>> -> memref<1x128xi32, #tpu.memory_space<vmem>>
    %dma_start3A_85 = tpu.memref_squeeze %dma_start3A_84 : memref<1x128xi32, #tpu.memory_space<vmem>> -> memref<128xi32, #tpu.memory_space<vmem>>
    %dma_start3A_86 = arith.constant 0 : i32
    %dma_start3A_87 = arith.constant 0 : i32
    %dma_start3A_88 = tpu.memref_slice %arg8[%dma_start3A_86, %dma_start3A_87] : memref<2x128xf32, #tpu.memory_space<vmem_shared>> -> memref<2x128xf32, #tpu.memory_space<vmem_shared>>
    tpu.enqueue_indirect_dma source(%dma_start3A_88 : memref<2x128xf32, #tpu.memory_space<vmem_shared>>) target(%arg6 : memref<128x128xf32, #tpu.memory_space<vmem>>) offsets(%dma_start3A_85 : memref<128xi32, #tpu.memory_space<vmem>>) semaphore(%arg9 : memref<!tpu.dma_semaphore, #tpu.memory_space<semaphore_mem>>)
    %dma_wait3A_89 = arith.constant 3 : i32
    %dma_wait3A_90 = arith.constant 0 : i32
    %dma_wait3A_91 = tpu.memref_slice %arg5[%dma_wait3A_89, %dma_wait3A_90] : memref<8x128xi32, #tpu.memory_space<vmem>> -> memref<1x128xi32, #tpu.memory_space<vmem>>
    %dma_wait3A_92 = tpu.memref_squeeze %dma_wait3A_91 : memref<1x128xi32, #tpu.memory_space<vmem>> -> memref<128xi32, #tpu.memory_space<vmem>>
    %dma_wait3A_93 = arith.constant 0 : i32
    %dma_wait3A_94 = arith.constant 0 : i32
    %dma_wait3A_95 = tpu.memref_slice %arg8[%dma_wait3A_93, %dma_wait3A_94] : memref<2x128xf32, #tpu.memory_space<vmem_shared>> -> memref<2x128xf32, #tpu.memory_space<vmem_shared>>
    tpu.wait_indirect_dma semaphore(%arg10 : memref<!tpu.dma_semaphore, #tpu.memory_space<semaphore_mem>>) src(%dma_wait3A_95 : memref<2x128xf32, #tpu.memory_space<vmem_shared>>) dst(%arg7 : memref<128x128xf32, #tpu.memory_space<vmem>>)
    %add3A_96 = arith.constant 384 : i32
    %add3A_97 = arith.addi %mul3A_2, %add3A_96 : i32
    %dma_start3A_98 = arith.constant 0 : i32
    %dma_start3A_99 = tpu.memref_slice %arg4[%add3A_97, %dma_start3A_98] : memref<32768x128xf32, #tpu.memory_space<hbm>> -> memref<128x128xf32, #tpu.memory_space<hbm>>
    %dma_start3A_100 = arith.constant 0 : i32
    %dma_start3A_101 = tpu.memref_slice %arg4[%add3A_97, %dma_start3A_100] : memref<32768x128xf32, #tpu.memory_space<hbm>> -> memref<128x128xf32, #tpu.memory_space<hbm>>
    tpu.enqueue_dma source(%arg7 : memref<128x128xf32, #tpu.memory_space<vmem>>) target(%dma_start3A_101 : memref<128x128xf32, #tpu.memory_space<hbm>>) target_semaphore(%arg12 : memref<!tpu.dma_semaphore, #tpu.memory_space<semaphore_mem>>)
    %dma_wait3A_102 = arith.constant 0 : i32
    %dma_wait3A_103 = tpu.memref_slice %arg4[%add3A_97, %dma_wait3A_102] : memref<32768x128xf32, #tpu.memory_space<hbm>> -> memref<128x128xf32, #tpu.memory_space<hbm>>
    %dma_wait3A_104 = arith.constant 0 : i32
    %dma_wait3A_105 = tpu.memref_slice %arg4[%add3A_97, %dma_wait3A_104] : memref<32768x128xf32, #tpu.memory_space<hbm>> -> memref<128x128xf32, #tpu.memory_space<hbm>>
    tpu.wait_dma2 semaphore(%arg12 : memref<!tpu.dma_semaphore, #tpu.memory_space<semaphore_mem>>) src(%arg7 : memref<128x128xf32, #tpu.memory_space<vmem>>) dst(%dma_wait3A_105 : memref<128x128xf32, #tpu.memory_space<hbm>>)
    %dma_start3A_106 = arith.constant 5 : i32
    %dma_start3A_107 = arith.constant 0 : i32
    %dma_start3A_108 = tpu.memref_slice %arg5[%dma_start3A_106, %dma_start3A_107] : memref<8x128xi32, #tpu.memory_space<vmem>> -> memref<1x128xi32, #tpu.memory_space<vmem>>
    %dma_start3A_109 = tpu.memref_squeeze %dma_start3A_108 : memref<1x128xi32, #tpu.memory_space<vmem>> -> memref<128xi32, #tpu.memory_space<vmem>>
    %dma_start3A_110 = arith.constant 0 : i32
    %dma_start3A_111 = arith.constant 0 : i32
    %dma_start3A_112 = tpu.memref_slice %arg8[%dma_start3A_110, %dma_start3A_111] : memref<2x128xf32, #tpu.memory_space<vmem_shared>> -> memref<2x128xf32, #tpu.memory_space<vmem_shared>>
    tpu.enqueue_indirect_dma source(%dma_start3A_112 : memref<2x128xf32, #tpu.memory_space<vmem_shared>>) target(%arg7 : memref<128x128xf32, #tpu.memory_space<vmem>>) offsets(%dma_start3A_109 : memref<128xi32, #tpu.memory_space<vmem>>) semaphore(%arg10 : memref<!tpu.dma_semaphore, #tpu.memory_space<semaphore_mem>>)
    %dma_wait3A_113 = arith.constant 4 : i32
    %dma_wait3A_114 = arith.constant 0 : i32
    %dma_wait3A_115 = tpu.memref_slice %arg5[%dma_wait3A_113, %dma_wait3A_114] : memref<8x128xi32, #tpu.memory_space<vmem>> -> memref<1x128xi32, #tpu.memory_space<vmem>>
    %dma_wait3A_116 = tpu.memref_squeeze %dma_wait3A_115 : memref<1x128xi32, #tpu.memory_space<vmem>> -> memref<128xi32, #tpu.memory_space<vmem>>
    %dma_wait3A_117 = arith.constant 0 : i32
    %dma_wait3A_118 = arith.constant 0 : i32
    %dma_wait3A_119 = tpu.memref_slice %arg8[%dma_wait3A_117, %dma_wait3A_118] : memref<2x128xf32, #tpu.memory_space<vmem_shared>> -> memref<2x128xf32, #tpu.memory_space<vmem_shared>>
    tpu.wait_indirect_dma semaphore(%arg9 : memref<!tpu.dma_semaphore, #tpu.memory_space<semaphore_mem>>) src(%dma_wait3A_119 : memref<2x128xf32, #tpu.memory_space<vmem_shared>>) dst(%arg6 : memref<128x128xf32, #tpu.memory_space<vmem>>)
    %add3A_120 = arith.constant 512 : i32
    %add3A_121 = arith.addi %mul3A_2, %add3A_120 : i32
    %dma_start3A_122 = arith.constant 0 : i32
    %dma_start3A_123 = tpu.memref_slice %arg4[%add3A_121, %dma_start3A_122] : memref<32768x128xf32, #tpu.memory_space<hbm>> -> memref<128x128xf32, #tpu.memory_space<hbm>>
    %dma_start3A_124 = arith.constant 0 : i32
    %dma_start3A_125 = tpu.memref_slice %arg4[%add3A_121, %dma_start3A_124] : memref<32768x128xf32, #tpu.memory_space<hbm>> -> memref<128x128xf32, #tpu.memory_space<hbm>>
    tpu.enqueue_dma source(%arg6 : memref<128x128xf32, #tpu.memory_space<vmem>>) target(%dma_start3A_125 : memref<128x128xf32, #tpu.memory_space<hbm>>) target_semaphore(%arg11 : memref<!tpu.dma_semaphore, #tpu.memory_space<semaphore_mem>>)
    %dma_wait3A_126 = arith.constant 0 : i32
    %dma_wait3A_127 = tpu.memref_slice %arg4[%add3A_121, %dma_wait3A_126] : memref<32768x128xf32, #tpu.memory_space<hbm>> -> memref<128x128xf32, #tpu.memory_space<hbm>>
    %dma_wait3A_128 = arith.constant 0 : i32
    %dma_wait3A_129 = tpu.memref_slice %arg4[%add3A_121, %dma_wait3A_128] : memref<32768x128xf32, #tpu.memory_space<hbm>> -> memref<128x128xf32, #tpu.memory_space<hbm>>
    tpu.wait_dma2 semaphore(%arg11 : memref<!tpu.dma_semaphore, #tpu.memory_space<semaphore_mem>>) src(%arg6 : memref<128x128xf32, #tpu.memory_space<vmem>>) dst(%dma_wait3A_129 : memref<128x128xf32, #tpu.memory_space<hbm>>)
    %dma_start3A_130 = arith.constant 6 : i32
    %dma_start3A_131 = arith.constant 0 : i32
    %dma_start3A_132 = tpu.memref_slice %arg5[%dma_start3A_130, %dma_start3A_131] : memref<8x128xi32, #tpu.memory_space<vmem>> -> memref<1x128xi32, #tpu.memory_space<vmem>>
    %dma_start3A_133 = tpu.memref_squeeze %dma_start3A_132 : memref<1x128xi32, #tpu.memory_space<vmem>> -> memref<128xi32, #tpu.memory_space<vmem>>
    %dma_start3A_134 = arith.constant 0 : i32
    %dma_start3A_135 = arith.constant 0 : i32
    %dma_start3A_136 = tpu.memref_slice %arg8[%dma_start3A_134, %dma_start3A_135] : memref<2x128xf32, #tpu.memory_space<vmem_shared>> -> memref<2x128xf32, #tpu.memory_space<vmem_shared>>
    tpu.enqueue_indirect_dma source(%dma_start3A_136 : memref<2x128xf32, #tpu.memory_space<vmem_shared>>) target(%arg6 : memref<128x128xf32, #tpu.memory_space<vmem>>) offsets(%dma_start3A_133 : memref<128xi32, #tpu.memory_space<vmem>>) semaphore(%arg9 : memref<!tpu.dma_semaphore, #tpu.memory_space<semaphore_mem>>)
    %dma_wait3A_137 = arith.constant 5 : i32
    %dma_wait3A_138 = arith.constant 0 : i32
    %dma_wait3A_139 = tpu.memref_slice %arg5[%dma_wait3A_137, %dma_wait3A_138] : memref<8x128xi32, #tpu.memory_space<vmem>> -> memref<1x128xi32, #tpu.memory_space<vmem>>
    %dma_wait3A_140 = tpu.memref_squeeze %dma_wait3A_139 : memref<1x128xi32, #tpu.memory_space<vmem>> -> memref<128xi32, #tpu.memory_space<vmem>>
    %dma_wait3A_141 = arith.constant 0 : i32
    %dma_wait3A_142 = arith.constant 0 : i32
    %dma_wait3A_143 = tpu.memref_slice %arg8[%dma_wait3A_141, %dma_wait3A_142] : memref<2x128xf32, #tpu.memory_space<vmem_shared>> -> memref<2x128xf32, #tpu.memory_space<vmem_shared>>
    tpu.wait_indirect_dma semaphore(%arg10 : memref<!tpu.dma_semaphore, #tpu.memory_space<semaphore_mem>>) src(%dma_wait3A_143 : memref<2x128xf32, #tpu.memory_space<vmem_shared>>) dst(%arg7 : memref<128x128xf32, #tpu.memory_space<vmem>>)
    %add3A_144 = arith.constant 640 : i32
    %add3A_145 = arith.addi %mul3A_2, %add3A_144 : i32
    %dma_start3A_146 = arith.constant 0 : i32
    %dma_start3A_147 = tpu.memref_slice %arg4[%add3A_145, %dma_start3A_146] : memref<32768x128xf32, #tpu.memory_space<hbm>> -> memref<128x128xf32, #tpu.memory_space<hbm>>
    %dma_start3A_148 = arith.constant 0 : i32
    %dma_start3A_149 = tpu.memref_slice %arg4[%add3A_145, %dma_start3A_148] : memref<32768x128xf32, #tpu.memory_space<hbm>> -> memref<128x128xf32, #tpu.memory_space<hbm>>
    tpu.enqueue_dma source(%arg7 : memref<128x128xf32, #tpu.memory_space<vmem>>) target(%dma_start3A_149 : memref<128x128xf32, #tpu.memory_space<hbm>>) target_semaphore(%arg12 : memref<!tpu.dma_semaphore, #tpu.memory_space<semaphore_mem>>)
    %dma_wait3A_150 = arith.constant 0 : i32
    %dma_wait3A_151 = tpu.memref_slice %arg4[%add3A_145, %dma_wait3A_150] : memref<32768x128xf32, #tpu.memory_space<hbm>> -> memref<128x128xf32, #tpu.memory_space<hbm>>
    %dma_wait3A_152 = arith.constant 0 : i32
    %dma_wait3A_153 = tpu.memref_slice %arg4[%add3A_145, %dma_wait3A_152] : memref<32768x128xf32, #tpu.memory_space<hbm>> -> memref<128x128xf32, #tpu.memory_space<hbm>>
    tpu.wait_dma2 semaphore(%arg12 : memref<!tpu.dma_semaphore, #tpu.memory_space<semaphore_mem>>) src(%arg7 : memref<128x128xf32, #tpu.memory_space<vmem>>) dst(%dma_wait3A_153 : memref<128x128xf32, #tpu.memory_space<hbm>>)
    %dma_start3A_154 = arith.constant 7 : i32
    %dma_start3A_155 = arith.constant 0 : i32
    %dma_start3A_156 = tpu.memref_slice %arg5[%dma_start3A_154, %dma_start3A_155] : memref<8x128xi32, #tpu.memory_space<vmem>> -> memref<1x128xi32, #tpu.memory_space<vmem>>
    %dma_start3A_157 = tpu.memref_squeeze %dma_start3A_156 : memref<1x128xi32, #tpu.memory_space<vmem>> -> memref<128xi32, #tpu.memory_space<vmem>>
    %dma_start3A_158 = arith.constant 0 : i32
    %dma_start3A_159 = arith.constant 0 : i32
    %dma_start3A_160 = tpu.memref_slice %arg8[%dma_start3A_158, %dma_start3A_159] : memref<2x128xf32, #tpu.memory_space<vmem_shared>> -> memref<2x128xf32, #tpu.memory_space<vmem_shared>>
    tpu.enqueue_indirect_dma source(%dma_start3A_160 : memref<2x128xf32, #tpu.memory_space<vmem_shared>>) target(%arg7 : memref<128x128xf32, #tpu.memory_space<vmem>>) offsets(%dma_start3A_157 : memref<128xi32, #tpu.memory_space<vmem>>) semaphore(%arg10 : memref<!tpu.dma_semaphore, #tpu.memory_space<semaphore_mem>>)
    %dma_wait3A_161 = arith.constant 6 : i32
    %dma_wait3A_162 = arith.constant 0 : i32
    %dma_wait3A_163 = tpu.memref_slice %arg5[%dma_wait3A_161, %dma_wait3A_162] : memref<8x128xi32, #tpu.memory_space<vmem>> -> memref<1x128xi32, #tpu.memory_space<vmem>>
    %dma_wait3A_164 = tpu.memref_squeeze %dma_wait3A_163 : memref<1x128xi32, #tpu.memory_space<vmem>> -> memref<128xi32, #tpu.memory_space<vmem>>
    %dma_wait3A_165 = arith.constant 0 : i32
    %dma_wait3A_166 = arith.constant 0 : i32
    %dma_wait3A_167 = tpu.memref_slice %arg8[%dma_wait3A_165, %dma_wait3A_166] : memref<2x128xf32, #tpu.memory_space<vmem_shared>> -> memref<2x128xf32, #tpu.memory_space<vmem_shared>>
    tpu.wait_indirect_dma semaphore(%arg9 : memref<!tpu.dma_semaphore, #tpu.memory_space<semaphore_mem>>) src(%dma_wait3A_167 : memref<2x128xf32, #tpu.memory_space<vmem_shared>>) dst(%arg6 : memref<128x128xf32, #tpu.memory_space<vmem>>)
    %add3A_168 = arith.constant 768 : i32
    %add3A_169 = arith.addi %mul3A_2, %add3A_168 : i32
    %dma_start3A_170 = arith.constant 0 : i32
    %dma_start3A_171 = tpu.memref_slice %arg4[%add3A_169, %dma_start3A_170] : memref<32768x128xf32, #tpu.memory_space<hbm>> -> memref<128x128xf32, #tpu.memory_space<hbm>>
    %dma_start3A_172 = arith.constant 0 : i32
    %dma_start3A_173 = tpu.memref_slice %arg4[%add3A_169, %dma_start3A_172] : memref<32768x128xf32, #tpu.memory_space<hbm>> -> memref<128x128xf32, #tpu.memory_space<hbm>>
    tpu.enqueue_dma source(%arg6 : memref<128x128xf32, #tpu.memory_space<vmem>>) target(%dma_start3A_173 : memref<128x128xf32, #tpu.memory_space<hbm>>) target_semaphore(%arg11 : memref<!tpu.dma_semaphore, #tpu.memory_space<semaphore_mem>>)
    %dma_wait3A_174 = arith.constant 7 : i32
    %dma_wait3A_175 = arith.constant 0 : i32
    %dma_wait3A_176 = tpu.memref_slice %arg5[%dma_wait3A_174, %dma_wait3A_175] : memref<8x128xi32, #tpu.memory_space<vmem>> -> memref<1x128xi32, #tpu.memory_space<vmem>>
    %dma_wait3A_177 = tpu.memref_squeeze %dma_wait3A_176 : memref<1x128xi32, #tpu.memory_space<vmem>> -> memref<128xi32, #tpu.memory_space<vmem>>
    %dma_wait3A_178 = arith.constant 0 : i32
    %dma_wait3A_179 = arith.constant 0 : i32
    %dma_wait3A_180 = tpu.memref_slice %arg8[%dma_wait3A_178, %dma_wait3A_179] : memref<2x128xf32, #tpu.memory_space<vmem_shared>> -> memref<2x128xf32, #tpu.memory_space<vmem_shared>>
    tpu.wait_indirect_dma semaphore(%arg10 : memref<!tpu.dma_semaphore, #tpu.memory_space<semaphore_mem>>) src(%dma_wait3A_180 : memref<2x128xf32, #tpu.memory_space<vmem_shared>>) dst(%arg7 : memref<128x128xf32, #tpu.memory_space<vmem>>)
    %add3A_181 = arith.constant 896 : i32
    %add3A_182 = arith.addi %mul3A_2, %add3A_181 : i32
    %dma_start3A_183 = arith.constant 0 : i32
    %dma_start3A_184 = tpu.memref_slice %arg4[%add3A_182, %dma_start3A_183] : memref<32768x128xf32, #tpu.memory_space<hbm>> -> memref<128x128xf32, #tpu.memory_space<hbm>>
    %dma_start3A_185 = arith.constant 0 : i32
    %dma_start3A_186 = tpu.memref_slice %arg4[%add3A_182, %dma_start3A_185] : memref<32768x128xf32, #tpu.memory_space<hbm>> -> memref<128x128xf32, #tpu.memory_space<hbm>>
    tpu.enqueue_dma source(%arg7 : memref<128x128xf32, #tpu.memory_space<vmem>>) target(%dma_start3A_186 : memref<128x128xf32, #tpu.memory_space<hbm>>) target_semaphore(%arg12 : memref<!tpu.dma_semaphore, #tpu.memory_space<semaphore_mem>>)
    %dma_wait3A_187 = arith.constant 0 : i32
    %dma_wait3A_188 = tpu.memref_slice %arg4[%add3A_169, %dma_wait3A_187] : memref<32768x128xf32, #tpu.memory_space<hbm>> -> memref<128x128xf32, #tpu.memory_space<hbm>>
    %dma_wait3A_189 = arith.constant 0 : i32
    %dma_wait3A_190 = tpu.memref_slice %arg4[%add3A_169, %dma_wait3A_189] : memref<32768x128xf32, #tpu.memory_space<hbm>> -> memref<128x128xf32, #tpu.memory_space<hbm>>
    tpu.wait_dma2 semaphore(%arg11 : memref<!tpu.dma_semaphore, #tpu.memory_space<semaphore_mem>>) src(%arg6 : memref<128x128xf32, #tpu.memory_space<vmem>>) dst(%dma_wait3A_190 : memref<128x128xf32, #tpu.memory_space<hbm>>)
    %dma_wait3A_191 = arith.constant 0 : i32
    %dma_wait3A_192 = tpu.memref_slice %arg4[%add3A_182, %dma_wait3A_191] : memref<32768x128xf32, #tpu.memory_space<hbm>> -> memref<128x128xf32, #tpu.memory_space<hbm>>
    %dma_wait3A_193 = arith.constant 0 : i32
    %dma_wait3A_194 = tpu.memref_slice %arg4[%add3A_182, %dma_wait3A_193] : memref<32768x128xf32, #tpu.memory_space<hbm>> -> memref<128x128xf32, #tpu.memory_space<hbm>>
    tpu.wait_dma2 semaphore(%arg12 : memref<!tpu.dma_semaphore, #tpu.memory_space<semaphore_mem>>) src(%arg7 : memref<128x128xf32, #tpu.memory_space<vmem>>) dst(%dma_wait3A_194 : memref<128x128xf32, #tpu.memory_space<hbm>>)
    return
  }
}

</mosaic_0001>

<sc_bundles>
// kernel: kernel.3.cloned.1.call-start
scs
__scs_entry_jumppad:
0x0: {  	(pc) =	sbr.rel $0x88, $3  }
0x1: {  	(tag) =	ssettag $0x0;
	lr =	simm.s32 $0x1  }
0x2: {  	[smem:$0x3F9F] =	sst lr;
	_ =	strace $0xD0000000  }
0x3: {  	_ = 	snop  }
0x4: {  	_ = 	snop  }
0x5: {  	_ = 	snop  }
0x6: {  	_ = 	snop  }
0x7: {  	_ = 	snop  }
__scs_overlays_trampoline_lowered:
0x8: {  	[smem:$0x3FAE] =	sst s0  }
0x9: {  	[smem:$0x3FAF] =	sst s1  }
0xa: {  	[smem:$0x3FB0] =	sst s2  }
0xb: {  	[smem:$0x3FB1] =	sst s3  }
0xc: {  	[smem:$0x3FB2] =	sst s4  }
0xd: {  	[smem:$0x3FB3] =	sst s5  }
0xe: {  	[smem:$0x3FB4] =	sst s6  }
0xf: {  	[smem:$0x3FB5] =	sst s7  }
0x10: {  	[smem:$0x3FB6] =	sst s8  }
0x11: {  	[smem:$0x3FB7] =	sst s9;
	s0 =	simm.s32 @!p0 $0x0  }
0x12: {  	s1 =	sld [smem:$0x3F9D];
	s0 =	simm.s32 @p0 $0x1  }
0x13: {  	[smem:$0x3FB8] =	sst s0;
	s0 =	simm.s32 @!p1 $0x0  }
0x14: {  	s2 =	sld [smem:$0x3F9C];
	s0 =	simm.s32 @p1 $0x1  }
0x15: {  	[smem:$0x3FB9] =	sst s0;
	s0 =	simm.s32 @!p2 $0x0  }
0x16: {  	s3 =	sld [smem:$0x3FDB];
	s0 =	simm.s32 @p2 $0x1  }
0x17: {  	s4 =	simm.s32 $0x1BF5;
	[smem:$0x3FBB] =	sst s0  }
0x18: {  	s0 =	sld [smem:$0x3F9E];
	_ =	swait.ge [sflag:s4], $0x0  }
0x19: {  	s7 =	sld [smem:$0x3F9F]  }
0x1a: {  	s8 =	sadd.s32 $0xFFFFE003, lr  }
0x1b: {  	s9 =	sadd.s32 $0xFFFFFEF7, lr;
	s5 =	simm.s32 $0xFFFFFFFF;
	p2 =	slt.u32 s8, $0xFFFFF086  }
0x1c: {  	p1 =	slt.u32 s9, $0xF7A;
	s5 =	simm.s32 @!p2 $0x0  }
0x1d: {  	s5 =	simm.s32 @p1 $0x1;
	p0 =	seq.s32 s7, s2  }
0x1e: {  	s7 =	smul.u32 @!p0 $0xF7A, s2;
	p2 =	seq.s32 @!p0 s5, $0x0  }
0x1f: {  	s9 =	smul.u32 $0xF7A, s1;
	s8 =	simm.s32 @!p0 $0x1BF5;
	p2 =	por !p2, p0  }
0x20: {  	[sflag:s8] =	ssyncset.s32 @!p0 $0xFFFFF086;
	s6 =	sadd.s32 @!p0 s3, s7;
	s7 =	simm.s32 @!p0 $0x108  }
0x21: {  	s3 =	sadd.s32 s3, s9;
	s6 =	sadd.s32 @!p0 $0x88, s6;
	s7 =	simm.s32 @p2 $0x1082  }
0x22: {  	[simem:s7], [sflag:s8] =	dma.local @!p0 [hbm:s6], $0xF7A  }
0x23: {  	s9 =	sor.u32 $0xD0000000, s2;
	s6 =	simm.s32 $0x108;
	_ =	swait.ge @!p0 [sflag:s8], $0x0  }
0x24: {  	s3 =	sadd.s32 $0x88, s3;
	s6 =	simm.s32 @!p1 $0x1082;
	[sflag:s4] =	ssyncset.s32 $0xFFFFF086  }
0x25: {  	[simem:s6], [sflag:s4] =	dma.local [hbm:s3], $0xF7A  }
0x26: {  	[smem:$0x3F9F] =	sst s1;
	(tag) =	ssettag s2;
	_ =	strace s9  }
0x27: {  	s1 =	sld [smem:$0x3FAF]  }
0x28: {  	s2 =	sld [smem:$0x3FB0]  }
0x29: {  	s4 =	sld [smem:$0x3FB2]  }
0x2a: {  	p0 =	seq.s32 s5, $0x0;
	s5 =	sld [smem:$0x3FB3]  }
0x2b: {  	s6 =	sld [smem:$0x3FB4]  }
0x2c: {  	s7 =	sld [smem:$0x3FB5]  }
0x2d: {  	s3 =	simm.s32 $0x108;
	s8 =	sld [smem:$0x3FB6]  }
0x2e: {  	s3 =	simm.s32 @!p0 $0x1082;
	s9 =	sld [smem:$0x3FB7]  }
0x2f: {  	lr =	sadd.s32 s0, s3;
	s0 =	sld [smem:$0x3FAE]  }
0x30: {  	s3 =	sld [smem:$0x3FB1]  }
0x31: {  	[smem:$0x3FBA] =	sst s10  }
0x32: {  	s10 =	sld [smem:$0x3FB8];
	_ =	sdelay $0x3  }
0x33: {  	p0 =	seq.s32 s10, $0x1;
	s10 =	sld [smem:$0x3FBA];
	_ =	sdelay $0x3  }
0x34: {  	[smem:$0x3FBA] =	sst s10  }
0x35: {  	s10 =	sld [smem:$0x3FB9];
	_ =	sdelay $0x3  }
0x36: {  	p1 =	seq.s32 s10, $0x1;
	s10 =	sld [smem:$0x3FBA];
	_ =	sdelay $0x3  }
0x37: {  	[smem:$0x3FBA] =	sst s10  }
0x38: {  	s10 =	sld [smem:$0x3FBB]  }
0x39: {  	_ = 	snop;
	(pc) =	sbr.ind lr, $3  }
0x3a: {  	_ = 	snop  }
0x3b: {  	_ = 	snop  }
0x3c: {  	p2 =	seq.s32 s10, $0x1;
	s10 =	sld [smem:$0x3FBA]  }
0x3d: {  	_ =	shalt  }
0x3e: {  	_ =	shalt  }
0x3f: {  	_ =	shalt  }
0x40: {  	_ =	shalt  }
0x41: {  	_ =	shalt  }
0x42: {  	_ =	shalt  }
0x43: {  	_ =	shalt  }
0x44: {  	_ =	shalt  }
0x45: {  	_ =	shalt  }
0x46: {  	_ =	shalt  }
0x47: {  	_ =	shalt  }
0x48: {  	_ =	shalt  }
0x49: {  	_ =	shalt  }
0x4a: {  	_ =	shalt  }
0x4b: {  	_ =	shalt  }
0x4c: {  	_ =	shalt  }
0x4d: {  	_ =	shalt  }
0x4e: {  	_ =	shalt  }
0x4f: {  	_ =	shalt  }
0x50: {  	_ =	shalt  }
0x51: {  	_ =	shalt  }
0x52: {  	_ =	shalt  }
0x53: {  	_ =	shalt  }
0x54: {  	_ =	shalt  }
0x55: {  	_ =	shalt  }
0x56: {  	_ =	shalt  }
0x57: {  	_ =	shalt  }
0x58: {  	_ =	shalt  }
0x59: {  	_ =	shalt  }
0x5a: {  	_ =	shalt  }
0x5b: {  	_ =	shalt  }
0x5c: {  	_ =	shalt  }
0x5d: {  	_ =	shalt  }
0x5e: {  	_ =	shalt  }
0x5f: {  	_ =	shalt  }
0x60: {  	_ =	shalt  }
0x61: {  	_ =	shalt  }
0x62: {  	_ =	shalt  }
0x63: {  	_ =	shalt  }
0x64: {  	_ =	shalt  }
0x65: {  	_ =	shalt  }
0x66: {  	_ =	shalt  }
0x67: {  	_ =	shalt  }
0x68: {  	_ =	shalt  }
0x69: {  	_ =	shalt  }
0x6a: {  	_ =	shalt  }
0x6b: {  	_ =	shalt  }
0x6c: {  	_ =	shalt  }
0x6d: {  	_ =	shalt  }
0x6e: {  	_ =	shalt  }
0x6f: {  	_ =	shalt  }
0x70: {  	_ =	shalt  }
0x71: {  	_ =	shalt  }
0x72: {  	_ =	shalt  }
0x73: {  	_ =	shalt  }
0x74: {  	_ =	shalt  }
0x75: {  	_ =	shalt  }
0x76: {  	_ =	shalt  }
0x77: {  	_ =	shalt  }
0x78: {  	_ =	shalt  }
0x79: {  	_ =	shalt  }
0x7a: {  	_ =	shalt  }
0x7b: {  	_ =	shalt  }
0x7c: {  	_ =	shalt  }
0x7d: {  	_ =	shalt  }
0x7e: {  	_ =	shalt  }
0x7f: {  	_ =	shalt  }
0x80: {  	_ =	shalt  }
0x81: {  	_ =	shalt  }
0x82: {  	_ =	shalt  }
0x83: {  	_ =	shalt  }
0x84: {  	_ =	shalt  }
0x85: {  	_ =	shalt  }
0x86: {  	_ =	shalt  }
0x87: {  	_ =	shalt  }
.Lfunc_end0:
.L_simem_size_0:
called_computation_lowered:
.L_overlay_start_0:
0x88: {  	s2 =	sld [smem:$0x3FD9]  }
0x89: {  	s3 =	sld [smem:$0x3FFE];
	_ =	sdelay $0x1  }
0x8a: {  	s1 =	srdreg.scid  }
0x8b: {  	s0 =	sand.u32 $0x1, s1  }
0x8c: {  	s14 =	sshll.u32 s0, $0xA;
	s2 =	sadd.s32 s3, s2  }
0x8d: {  	s2 =	sadd.s32 s2, s14  }
0x8e: {  	[smem:$0x3FC6] =	sst s2  }
0x8f: {  	_ = 	snop  }
0x90: {  	s2 =	sld [smem:$0x3FD0];
	_ =	sdelay $0x2  }
0x91: {  	s4 =	simm.s32 $0xA;
	s5 =	simm.s32 $0x10;
	s15 =	sld [smem:$0x3FC8]  }
0x92: {  	[smem:s5], [sflag:s4] =	dma.local [hbm:s2], $0x1  }
0x93: {  	_ =	swait.eq [sflag:s4], $0x1  }
0x94: {  	[sflag:s4] =	ssyncset.done $0x0  }
0x95: {  	[sflag:s4] =	ssyncadd.s32 $0xFFFFFFFF  }
0x96: {  	s16 =	sld [smem:$0x10];
	(tm) =	ssettm $0x1  }
0x97: {  	s17 =	sld [smem:$0x3FFB];
	_ =	sdelay $0x3  }
0x98: {  	_ =	strace s17  }
0x99: {  	s4 =	sld [smem:$0x3FFC];
	_ =	sdelay $0x3  }
0x9a: {  	_ =	strace s4  }
0x9b: {  	s4 =	sld [smem:$0x3FFD];
	_ =	sdelay $0x3  }
0x9c: {  	_ =	strace s4  }
0x9d: {  	_ =	strace $0x8FFFFFFF  }
0x9e: {  	s18 =	sld [smem:$0x3FDB];
	_ =	sdelay $0x1  }
0x9f: {  	s19 =	simm.s32 $_scs_section_size  }
0xa0: {  	s6 =	simm.s32 $_size__tile_overlayer_lowered;
	s7 =	simm.s32 $_tile_overlayer_lowered  }
0xa1: {  	s22 =	simm.s32 $0x1BFF;
	s21 =	sshll.u32 s7, $0x1;
	s4 =	sadd.s32 s19, s18  }
0xa2: {  	s8 =	simm.s32 $0x0;
	s20 =	sshll.u32 s6, $0x1;
	s6 =	sadd.s32 s21, s4  }
0xa3: {  	[timem:s8], [sflag:s22] =	dma.local [hbm:s6], s20  }
0xa4: {  	_ =	swait.ge [sflag:s22], s20  }
0xa5: {  	s5 =	ssub.s32 $0x0, s20;
	[sflag:s22] =	ssyncset.done $0x0  }
0xa6: {  	[sflag:s22] =	ssyncadd.s32 s5;
	_ =	sdelay $0x1  }
0xa7: {  	s23 =	simm.s32 $0x1B8B  }
0xa8: {  	_ =	swait.ge [sflag:s23], $0x1  }
0xa9: {  	[sflag:s23] =	ssyncset.done $0x0  }
0xaa: {  	s25 =	simm.s32 $0x1B8E;
	s24 =	sld [smem:$0x3FFE];
	[sflag:s23] =	ssyncadd.s32 $0xFFFFFFFF  }
0xab: {  	s26 =	simm.s32 $execute0_lowered;
	[smem:$0x3FD2] =	sst s25  }
0xac: {  	s6 =	sshll.u32 s26, $0x1;
	_ =	strace $0x80000046;
	[dreg:$0x1] =	wrdreg $0xFFFFFFFF  }
0xad: {  	s28 =	simm.s32 $_size_execute0_lowered;
	s4 =	sadd.s32 s4, s6;
	[dreg:$0x0] =	wrdreg $0x0  }
0xae: {  	s6 =	sshll.u32 s28, $0x1;
	[dreg:$0x2] =	wrdreg s4  }
0xaf: {  	[dreg:$0x3] =	wrdreg s6  }
0xb0: {  	[dreg:$0x4] =	wrdreg $0xC0  }
0xb1: {  	_ =	task [dreg:s8], $0x5FFFF  }
0xb2: {  	[dreg:$0x1] =	wrdreg $0xFFFFFFFF  }
0xb3: {  	[dreg:$0x0] =	wrdreg $0x60  }
0xb4: {  	[dreg:$0x2] =	wrdreg s24  }
0xb5: {  	[dreg:$0x3] =	wrdreg s15  }
0xb6: {  	[dreg:$0x4] =	wrdreg s16  }
0xb7: {  	[dreg:$0x5] =	wrdreg $0x84000  }
0xb8: {  	[dreg:$0x6] =	wrdreg $0x9  }
0xb9: {  	_ =	task.clear_ibuf [dreg:s8], $0x7FFFF;
	_ =	strace $0x90000046  }
0xba: {  	s29 =	simm.s32 $0x9;
	_ =	strace $0x80000048  }
0xbb: {  	_ =	swait.ge [sflag:s29], $0x1  }
0xbc: {  	[sflag:s29] =	ssyncadd.s32 $0xFFFFFFFF  }
0xbd: {  	_ =	strace $0x90000048  }
0xbe: {  	_ =	sfence  }
0xbf: {  	s30 =	sld [smem:$0x0];
	_ =	sdelay $0x2  }
0xc0: {  	s31 =	sshll.u32 s1, $0xD;
	s1 =	sshrl.u32 s1, $0x2  }
0xc1: {  	s3 =	sand.u32 $0x4000, s31;
	s1 =	sadd.s32 s1, s30  }
0xc2: {  	s0 =	sor.u32 s3, s0;
	s1 =	sshll.u32 s1, $0x11  }
0xc3: {  	s0 =	sor.u32 s1, s0  }
0xc4: {  	s0 =	sadd.s32 $0x8F2B, s0  }
0xc5: {  	[sflag:s0] =	ssyncadd.remote.s32 $0x1  }
0xc6: {  	_ =	sfence.sel $0xFFFF  }
0xc7: {  	[dreg:$0x0] =	wrdreg $0xFFFFFFFF;
	(pc) =	sbr.abs _section_cstart, $3  }
0xc8: {  	[dreg:$0x1] =	wrdreg $0xFFFFFFFF  }
0xc9: {  	_ =	task.clear_ibuf [dreg:s8], $0x2FFFF;
	_ =	strace $0x9FFFFFFF  }
0xca: {  	(tm) =	ssettm $0x7FFFFFFF  }
0xcb: {  	_ =	shalt  }
tec
execute0_lowered:
.L_overlay_start_1:
0x0: {  	(tag) =	ssettag $0x1  }
0x1: {  	s6 =	rddreg [dreg:$0x0]  }
0x2: {  	s0 =	rddreg [dreg:$0x1]  }
0x3: {  	s12 =	rddreg [dreg:$0x2]  }
0x4: {  	s1 =	rddreg [dreg:$0x3]  }
0x5: {  	[dreg:$0x5] =	wrdreg s0  }
0x6: {  	s2 =	simm.s32 $0x0;
	s3 =	srdreg.scid;
	s0 =	rddreg [dreg:$0x4]  }
0x7: {  	s4 =	stileid.u32;
	[smem:$0x7FF] =	sst s2;
	s29 =	sand.u32 $0x1, s3  }
0x8: {  	s26 =	sshll.u32 s4, $0xB;
	p0 =	sne.s32 s4, $0x0;
	_ =	strace $0x80000047  }
0x9: {  	s5 =	sshll.u32 s29, $0xA;
	s3 =	sshrl.u32 @!p0 s1, $0x3;
	s4 =	simm.s32 @!p0 $0x1C05  }
0xa: {  	s7 =	rddreg [dreg:$0x5];
	s13 =	sor.u32 s5, s26;
	s5 =	simm.s32 @!p0 $0x5  }
0xb: {  	[spmem:s3], [sflag:s4] =	dma.local @!p0 [hbm:s7], $0x20  }
0xc: {  	s31 =	sshrl.u32 s13, $0x3;
	_ =	swait.ge @!p0 [sflag:s5], $0x20  }
0xd: {  	s6 =	sadd.s32 s31, s6;
	[sflag:s5] =	ssyncset.done @!p0 $0x0  }
0xe: {  	s7 =	simm.s32 $0x5;
	s6 =	sadd.s32 $0x600, s6;
	[sflag:s5] =	ssyncadd.s32 @!p0 $0xFFFFFFE0  }
0xf: {  	[tilespmem:s2], [sflag:$0x5] =	stream.linear.gather [hbm4b:s6+s2], $0x400, $0x38;
	[tilespmem:$0x8410] =	vst v63  }
0x10: {  	_ =	swait.ge [sflag:s7], $0x400  }
0x11: {  	[sflag:s7] =	ssyncset.done $0x0  }
0x12: {  	[sflag:s7] =	ssyncadd.s32 $0xFFFFFC00  }
0x13: {  	s8 =	simm.s32 $0x80;
	s9 =	simm.s32 $0x400;
	[bflag:$0x0] =	sbarrier.arrive $0xFFFF  }
0x14: {  	[tilespmem:s9], [sflag:$0x1] =	stream.indirect.gather [spmem:s1], $0x80, s2, s8, $0xb8;
	[tilespmem:$0x8410] =	vst v63  }
0x15: {  	s10 =	simm.s32 $0x4400;
	s11 =	simm.s32 $0x1  }
0x16: {  	[tilespmem:s10], [sflag:$0x2] =	stream.indirect.gather [spmem:s1], $0x80, s8, s8, $0xb8;
	[tilespmem:$0x8410] =	vst v63  }
0x17: {  	_ =	swait.ge [sflag:s11], $0x4000  }
0x18: {  	s13 =	sshll.u32 s13, $0x4;
	[sflag:s11] =	ssyncset.done $0x0  }
0x19: {  	s12 =	sadd.s32 s12, s13;
	s13 =	simm.s32 $0x3;
	[sflag:s11] =	ssyncadd.s32 $0xFFFFC000  }
0x1a: {  	[hbm4b:s12+s2] =	stream.linear.scatter [tilespmem:s9], [sflag:$0x3], $0x4000, $0x38;
	[tilespmem:$0x8410] =	vst v63  }
0x1b: {  	_ =	swait.ge [sflag:s13], $0x4000  }
0x1c: {  	[sflag:s13] =	ssyncset.done $0x0  }
0x1d: {  	s14 =	simm.s32 $0x100;
	s15 =	simm.s32 $0x2;
	[sflag:s13] =	ssyncadd.s32 $0xFFFFC000  }
0x1e: {  	[tilespmem:s9], [sflag:$0x1] =	stream.indirect.gather [spmem:s1], $0x80, s14, s8, $0xb8;
	[tilespmem:$0x8410] =	vst v63  }
0x1f: {  	_ =	swait.ge [sflag:s15], $0x4000  }
0x20: {  	[sflag:s15] =	ssyncset.done $0x0  }
0x21: {  	s16 =	simm.s32 $0x4;
	s17 =	sadd.s32 $0x800, s12;
	[sflag:s15] =	ssyncadd.s32 $0xFFFFC000  }
0x22: {  	[hbm4b:s17+s2] =	stream.linear.scatter [tilespmem:s10], [sflag:$0x4], $0x4000, $0x38;
	[tilespmem:$0x8410] =	vst v63  }
0x23: {  	_ =	swait.ge [sflag:s16], $0x4000  }
0x24: {  	[sflag:s16] =	ssyncset.done $0x0  }
0x25: {  	s18 =	simm.s32 $0x180;
	[sflag:s16] =	ssyncadd.s32 $0xFFFFC000  }
0x26: {  	[tilespmem:s10], [sflag:$0x2] =	stream.indirect.gather [spmem:s1], $0x80, s18, s8, $0xb8;
	[tilespmem:$0x8410] =	vst v63  }
0x27: {  	_ =	swait.ge [sflag:s11], $0x4000  }
0x28: {  	[sflag:s11] =	ssyncset.done $0x0  }
0x29: {  	s19 =	sadd.s32 $0x1000, s12;
	[sflag:s11] =	ssyncadd.s32 $0xFFFFC000  }
0x2a: {  	[hbm4b:s19+s2] =	stream.linear.scatter [tilespmem:s9], [sflag:$0x3], $0x4000, $0x38;
	[tilespmem:$0x8410] =	vst v63  }
0x2b: {  	_ =	swait.ge [sflag:s13], $0x4000  }
0x2c: {  	[sflag:s13] =	ssyncset.done $0x0  }
0x2d: {  	s20 =	simm.s32 $0x200;
	[sflag:s13] =	ssyncadd.s32 $0xFFFFC000  }
0x2e: {  	[tilespmem:s9], [sflag:$0x1] =	stream.indirect.gather [spmem:s1], $0x80, s20, s8, $0xb8;
	[tilespmem:$0x8410] =	vst v63  }
0x2f: {  	_ =	swait.ge [sflag:s15], $0x4000  }
0x30: {  	[sflag:s15] =	ssyncset.done $0x0  }
0x31: {  	s21 =	sadd.s32 $0x1800, s12;
	[sflag:s15] =	ssyncadd.s32 $0xFFFFC000  }
0x32: {  	[hbm4b:s21+s2] =	stream.linear.scatter [tilespmem:s10], [sflag:$0x4], $0x4000, $0x38;
	[tilespmem:$0x8410] =	vst v63  }
0x33: {  	_ =	swait.ge [sflag:s16], $0x4000  }
0x34: {  	[sflag:s16] =	ssyncset.done $0x0  }
0x35: {  	s22 =	simm.s32 $0x280;
	[sflag:s16] =	ssyncadd.s32 $0xFFFFC000  }
0x36: {  	[tilespmem:s10], [sflag:$0x2] =	stream.indirect.gather [spmem:s1], $0x80, s22, s8, $0xb8;
	[tilespmem:$0x8410] =	vst v63  }
0x37: {  	_ =	swait.ge [sflag:s11], $0x4000  }
0x38: {  	[sflag:s11] =	ssyncset.done $0x0  }
0x39: {  	s23 =	sadd.s32 $0x2000, s12;
	[sflag:s11] =	ssyncadd.s32 $0xFFFFC000  }
0x3a: {  	[hbm4b:s23+s2] =	stream.linear.scatter [tilespmem:s9], [sflag:$0x3], $0x4000, $0x38;
	[tilespmem:$0x8410] =	vst v63  }
0x3b: {  	_ =	swait.ge [sflag:s13], $0x4000  }
0x3c: {  	[sflag:s13] =	ssyncset.done $0x0  }
0x3d: {  	s24 =	simm.s32 $0x300;
	[sflag:s13] =	ssyncadd.s32 $0xFFFFC000  }
0x3e: {  	[tilespmem:s9], [sflag:$0x1] =	stream.indirect.gather [spmem:s1], $0x80, s24, s8, $0xb8;
	[tilespmem:$0x8410] =	vst v63  }
0x3f: {  	_ =	swait.ge [sflag:s15], $0x4000  }
0x40: {  	[sflag:s15] =	ssyncset.done $0x0  }
0x41: {  	s25 =	sadd.s32 $0x2800, s12;
	[sflag:s15] =	ssyncadd.s32 $0xFFFFC000  }
0x42: {  	[hbm4b:s25+s2] =	stream.linear.scatter [tilespmem:s10], [sflag:$0x4], $0x4000, $0x38;
	[tilespmem:$0x8410] =	vst v63  }
0x43: {  	_ =	swait.ge [sflag:s16], $0x4000  }
0x44: {  	[sflag:s16] =	ssyncset.done $0x0  }
0x45: {  	s26 =	simm.s32 $0x380;
	[sflag:s16] =	ssyncadd.s32 $0xFFFFC000  }
0x46: {  	[tilespmem:s10], [sflag:$0x2] =	stream.indirect.gather [spmem:s1], $0x80, s26, s8, $0xb8;
	[tilespmem:$0x8410] =	vst v63  }
0x47: {  	s30 =	ssub.s32 $0x2, s29;
	_ =	swait.ge [sflag:s11], $0x4000  }
0x48: {  	s31 =	sshrl.u32 s30, $0x1;
	[sflag:s11] =	ssyncset.done $0x0  }
0x49: {  	s28 =	sadd.s32 $0x3000, s12;
	s30 =	ssub.s32 s30, s31;
	[sflag:s11] =	ssyncadd.s32 $0xFFFFC000  }
0x4a: {  	[hbm4b:s28+s2] =	stream.linear.scatter [tilespmem:s9], [sflag:$0x3], $0x4000, $0x38;
	[tilespmem:$0x8410] =	vst v63  }
0x4b: {  	s30 =	smax.u32 s30, $0x1;
	_ =	swait.ge [sflag:s15], $0x4000  }
0x4c: {  	s30 =	sadd.s32 $0xFFFFFFFF, s30;
	[sflag:s15] =	ssyncset.done $0x0  }
0x4d: {  	s29 =	sadd.s32 $0x3800, s12;
	p1 =	sne.s32 s30, $0x0;
	[sflag:s15] =	ssyncadd.s32 $0xFFFFC000  }
0x4e: {  	[hbm4b:s29+s2] =	stream.linear.scatter [tilespmem:s10], [sflag:$0x4], $0x4000, $0x38;
	[tilespmem:$0x8410] =	vst v63  }
.Ltmp0:
0x4f: {  	_ =	swait.ge [sflag:s13], $0x4000;
	(pc) =	sbr.rel @!p1 .LBB2_2-.Ltmp0, $4  }
0x50: {  	[sflag:s13] =	ssyncset.done $0x0  }
0x51: {  	[sflag:s13] =	ssyncadd.s32 $0xFFFFC000  }
0x52: {  	_ =	swait.ge [sflag:s16], $0x4000  }
0x53: {  	[sflag:s16] =	ssyncset.done $0x0  }
.LBB2_1:
0x54: {  	s31 =	rddreg [dreg:$0x5];
	[sflag:s16] =	ssyncadd.s32 $0xFFFFC000  }
0x55: {  	[spmem:s3], [sflag:s4] =	dma.local @!p0 [hbm:s31], $0x20  }
0x56: {  	_ =	swait.ge @!p0 [sflag:s5], $0x20  }
0x57: {  	[sflag:s5] =	ssyncset.done @!p0 $0x0  }
0x58: {  	[sflag:s5] =	ssyncadd.s32 @!p0 $0xFFFFFFE0  }
0x59: {  	[tilespmem:s2], [sflag:$0x5] =	stream.linear.gather [hbm4b:s6+s2], $0x400, $0x38;
	[tilespmem:$0x8410] =	vst v63  }
0x5a: {  	_ =	swait.ge [sflag:s7], $0x400  }
0x5b: {  	[sflag:s7] =	ssyncset.done $0x0  }
0x5c: {  	[sflag:s7] =	ssyncadd.s32 $0xFFFFFC00  }
0x5d: {  	[bflag:$0x0] =	sbarrier.arrive $0xFFFF  }
0x5e: {  	[tilespmem:s9], [sflag:$0x1] =	stream.indirect.gather [spmem:s1], $0x80, s2, s8, $0xb8;
	[tilespmem:$0x8410] =	vst v63  }
0x5f: {  	_ = 	snop  }
0x60: {  	[tilespmem:s10], [sflag:$0x2] =	stream.indirect.gather [spmem:s1], $0x80, s8, s8, $0xb8;
	[tilespmem:$0x8410] =	vst v63  }
0x61: {  	_ =	swait.ge [sflag:s11], $0x4000  }
0x62: {  	[sflag:s11] =	ssyncset.done $0x0  }
0x63: {  	[sflag:s11] =	ssyncadd.s32 $0xFFFFC000  }
0x64: {  	[hbm4b:s12+s2] =	stream.linear.scatter [tilespmem:s9], [sflag:$0x3], $0x4000, $0x38;
	[tilespmem:$0x8410] =	vst v63  }
0x65: {  	_ =	swait.ge [sflag:s13], $0x4000  }
0x66: {  	[sflag:s13] =	ssyncset.done $0x0  }
0x67: {  	[sflag:s13] =	ssyncadd.s32 $0xFFFFC000  }
0x68: {  	[tilespmem:s9], [sflag:$0x1] =	stream.indirect.gather [spmem:s1], $0x80, s14, s8, $0xb8;
	[tilespmem:$0x8410] =	vst v63  }
0x69: {  	_ =	swait.ge [sflag:s15], $0x4000  }
0x6a: {  	[sflag:s15] =	ssyncset.done $0x0  }
0x6b: {  	[sflag:s15] =	ssyncadd.s32 $0xFFFFC000  }
0x6c: {  	[hbm4b:s17+s2] =	stream.linear.scatter [tilespmem:s10], [sflag:$0x4], $0x4000, $0x38;
	[tilespmem:$0x8410] =	vst v63  }
0x6d: {  	_ =	swait.ge [sflag:s16], $0x4000  }
0x6e: {  	[sflag:s16] =	ssyncset.done $0x0  }
0x6f: {  	[sflag:s16] =	ssyncadd.s32 $0xFFFFC000  }
0x70: {  	[tilespmem:s10], [sflag:$0x2] =	stream.indirect.gather [spmem:s1], $0x80, s18, s8, $0xb8;
	[tilespmem:$0x8410] =	vst v63  }
0x71: {  	_ =	swait.ge [sflag:s11], $0x4000  }
0x72: {  	[sflag:s11] =	ssyncset.done $0x0  }
0x73: {  	[sflag:s11] =	ssyncadd.s32 $0xFFFFC000  }
0x74: {  	[hbm4b:s19+s2] =	stream.linear.scatter [tilespmem:s9], [sflag:$0x3], $0x4000, $0x38;
	[tilespmem:$0x8410] =	vst v63  }
0x75: {  	_ =	swait.ge [sflag:s13], $0x4000  }
0x76: {  	[sflag:s13] =	ssyncset.done $0x0  }
0x77: {  	[sflag:s13] =	ssyncadd.s32 $0xFFFFC000  }
0x78: {  	[tilespmem:s9], [sflag:$0x1] =	stream.indirect.gather [spmem:s1], $0x80, s20, s8, $0xb8;
	[tilespmem:$0x8410] =	vst v63  }
0x79: {  	_ =	swait.ge [sflag:s15], $0x4000  }
0x7a: {  	[sflag:s15] =	ssyncset.done $0x0  }
0x7b: {  	[sflag:s15] =	ssyncadd.s32 $0xFFFFC000  }
0x7c: {  	[hbm4b:s21+s2] =	stream.linear.scatter [tilespmem:s10], [sflag:$0x4], $0x4000, $0x38;
	[tilespmem:$0x8410] =	vst v63  }
0x7d: {  	_ =	swait.ge [sflag:s16], $0x4000  }
0x7e: {  	[sflag:s16] =	ssyncset.done $0x0  }
0x7f: {  	[sflag:s16] =	ssyncadd.s32 $0xFFFFC000  }
0x80: {  	[tilespmem:s10], [sflag:$0x2] =	stream.indirect.gather [spmem:s1], $0x80, s22, s8, $0xb8;
	[tilespmem:$0x8410] =	vst v63  }
0x81: {  	_ =	swait.ge [sflag:s11], $0x4000  }
0x82: {  	[sflag:s11] =	ssyncset.done $0x0  }
0x83: {  	[sflag:s11] =	ssyncadd.s32 $0xFFFFC000  }
0x84: {  	[hbm4b:s23+s2] =	stream.linear.scatter [tilespmem:s9], [sflag:$0x3], $0x4000, $0x38;
	[tilespmem:$0x8410] =	vst v63  }
0x85: {  	_ =	swait.ge [sflag:s13], $0x4000  }
0x86: {  	[sflag:s13] =	ssyncset.done $0x0  }
0x87: {  	[sflag:s13] =	ssyncadd.s32 $0xFFFFC000  }
0x88: {  	[tilespmem:s9], [sflag:$0x1] =	stream.indirect.gather [spmem:s1], $0x80, s24, s8, $0xb8;
	[tilespmem:$0x8410] =	vst v63  }
0x89: {  	_ =	swait.ge [sflag:s15], $0x4000  }
0x8a: {  	[sflag:s15] =	ssyncset.done $0x0  }
0x8b: {  	[sflag:s15] =	ssyncadd.s32 $0xFFFFC000  }
0x8c: {  	[hbm4b:s25+s2] =	stream.linear.scatter [tilespmem:s10], [sflag:$0x4], $0x4000, $0x38;
	[tilespmem:$0x8410] =	vst v63  }
0x8d: {  	_ =	swait.ge [sflag:s16], $0x4000  }
0x8e: {  	[sflag:s16] =	ssyncset.done $0x0  }
0x8f: {  	[sflag:s16] =	ssyncadd.s32 $0xFFFFC000  }
0x90: {  	[tilespmem:s10], [sflag:$0x2] =	stream.indirect.gather [spmem:s1], $0x80, s26, s8, $0xb8;
	[tilespmem:$0x8410] =	vst v63  }
0x91: {  	_ =	swait.ge [sflag:s11], $0x4000  }
0x92: {  	[sflag:s11] =	ssyncset.done $0x0  }
0x93: {  	[sflag:s11] =	ssyncadd.s32 $0xFFFFC000  }
0x94: {  	[hbm4b:s28+s2] =	stream.linear.scatter [tilespmem:s9], [sflag:$0x3], $0x4000, $0x38;
	[tilespmem:$0x8410] =	vst v63  }
0x95: {  	_ =	swait.ge [sflag:s15], $0x4000  }
0x96: {  	s30 =	sadd.s32 $0xFFFFFFFF, s30;
	[sflag:s15] =	ssyncset.done $0x0  }
0x97: {  	p1 =	sne.s32 s30, $0x0;
	[sflag:s15] =	ssyncadd.s32 $0xFFFFC000  }
0x98: {  	[hbm4b:s29+s2] =	stream.linear.scatter [tilespmem:s10], [sflag:$0x4], $0x4000, $0x38;
	[tilespmem:$0x8410] =	vst v63  }
.Ltmp1:
0x99: {  	_ =	swait.ge [sflag:s13], $0x4000;
	(pc) =	sbr.rel @p1 .LBB2_1-.Ltmp1, $4  }
0x9a: {  	[sflag:s13] =	ssyncset.done $0x0  }
0x9b: {  	[sflag:s13] =	ssyncadd.s32 $0xFFFFC000  }
0x9c: {  	_ =	swait.ge [sflag:s16], $0x4000  }
0x9d: {  	[sflag:s16] =	ssyncset.done $0x0  }
.LBB2_2:
0x9e: {  	[sflag:s16] =	ssyncadd.s32 $0xFFFFC000  }
0x9f: {  	_ =	sfence.sel $0x180000  }
0xa0: {  	[bflag:$0x0] =	sbarrier.arrive $0xFFFF  }
0xa1: {  	_ =	strace $0x90000047  }
0xa2: {  	s0 =	sadd.s32 @!p0 $0x100000, s0;
	[bflag:$0x2] =	sbarrier.arrive $0xFFFF  }
0xa3: {  	[sflag:s0] =	ssyncadd.tile.s32 @!p0 $0x1;
	_ =	shalt  }
.Lfunc_end2:
_tile_overlayer_lowered:
.L_overlay_start_2:
0xa4: {  	(tag) =	ssettag $0x2  }
0xa5: {  	s0 =	rddreg [dreg:$0x0];
	s2 =	stileid.u32  }
0xa6: {  	s1 =	rddreg [dreg:$0x1];
	p0 =	sne.s32 s2, $0x0  }
0xa7: {  	s3 =	rddreg [dreg:$0x2];
	[bflag:$0x3] =	sbarrier.arrive $0xFFFF;
	s2 =	simm.s32 @!p0 $0x1C05  }
0xa8: {  	[timem:s3], [sflag:s2] =	dma.local @!p0 [hbm:s0], s1  }
0xa9: {  	s0 =	simm.s32 @!p0 $0x5  }
0xaa: {  	_ =	swait.ge @!p0 [sflag:s0], s1  }
0xab: {  	s1 =	ssub.s32 @!p0 $0x0, s1;
	[sflag:s0] =	ssyncset.done @!p0 $0x0  }
0xac: {  	[sflag:s0] =	ssyncadd.s32 @!p0 s1  }
0xad: {  	[bflag:$0x3] =	sbarrier.arrive $0xFFFF  }
0xae: {  	_ =	shalt  }

</sc_bundles>
